<compile_context>
chip_gen: v7x
topology: tpu7x:2x2x1
jax: 0.10.2.dev20260603
libtpu: 0.0.44.dev20260713+nightly
codegen_flags: <defaults>
</compile_context>

<pallas_src>
import functools

import jax
import jax.numpy as jnp
from jax import lax
from jax.experimental import pallas as pl
from jax.experimental.pallas import tpu as pltpu
from jax.experimental.pallas import tpu_sc as plsc

NC = 2
NS = 16
SUB = 3
CHUNK = SUB * 128



def _sc_mesh():
    return plsc.VectorSubcoreMesh(core_axis_name="c", subcore_axis_name="s")


_SC_PARAMS = pltpu.CompilerParams(use_tc_tiling_on_sc=False)


@functools.partial(jax.jit, static_argnames=("n", "nacc", "iters"))
def _sc_degree(idx2, ones_h, zeros_h, *, n, nacc, iters):
    zr = nacc // NS
    rows_per_tile = iters * SUB

    def body(idx_hbm, ones_hbm, zeros_hbm, out_hbm, idxv, ones_v, acc, sem):
        c = lax.axis_index("c")
        s = lax.axis_index("s")
        pltpu.sync_copy(ones_hbm, ones_v)
        pltpu.sync_copy(zeros_hbm, acc.at[pl.ds(s * zr, zr)])
        plsc.subcore_barrier()

        def idx_src(i):
            return idx_hbm.at[c, pl.ds(s * rows_per_tile + i * SUB, SUB)]

        pltpu.sync_copy(idx_src(0), idxv.at[0])

        def pair(p, carry):
            for b in (0, 1):
                i = 2 * p + b

                @pl.when(i + 1 < iters)
                def _():
                    pltpu.async_copy(idx_src(i + 1), idxv.at[1 - b], sem)

                for j in range(SUB):
                    pltpu.sync_copy(ones_v, acc.at[idxv.at[b, j]], add=True)

                @pl.when(i + 1 < iters)
                def _():
                    pltpu.make_async_copy(idx_src(i + 1), idxv.at[1 - b],
                                          sem).wait()
            return carry

        lax.fori_loop(0, iters // 2, pair, 0)
        plsc.subcore_barrier()
        r0 = s * zr
        pltpu.sync_copy(acc.at[pl.ds(r0, zr)], out_hbm.at[c, pl.ds(r0, zr)])

    fn = pl.kernel(
        body,
        out_type=jax.ShapeDtypeStruct((2, n, 16), jnp.float32),
        mesh=_sc_mesh(),
        scratch_types=[
            pltpu.VMEM((2, SUB, 128), jnp.int32),
            pltpu.VMEM((128, 16), jnp.float32),
            pltpu.VMEM_SHARED((nacc, 16), jnp.float32),
            pltpu.SemaphoreType.DMA,
        ],
        compiler_params=_SC_PARAMS,
    )
    return fn(idx2, ones_h, zeros_h)


@functools.partial(jax.jit, static_argnames=("n", "nacc", "iters"))
def _sc_gather_scatter(h2, src2, dst2, zeros_h, *, n, nacc, iters):
    zr = nacc // NS
    rows_per_tile = iters * SUB

    def body(h_hbm, src_hbm, dst_hbm, zeros_hbm, out_hbm,
             sidx, didx, rows_v, acc, gsem):
        c = lax.axis_index("c")
        s = lax.axis_index("s")
        pltpu.sync_copy(zeros_hbm, acc.at[pl.ds(s * zr, zr)])
        plsc.subcore_barrier()

        def load_idx(i, q, b):
            base = s * rows_per_tile + i * SUB
            pltpu.sync_copy(src_hbm.at[c, pl.ds(base, SUB)], sidx.at[q, b])
            pltpu.sync_copy(dst_hbm.at[pl.ds(base, SUB)], didx.at[q, b])

        def fire_gathers(q, b):
            for j in range(SUB):
                pltpu.async_copy(h_hbm.at[sidx.at[q, b, j]],
                                 rows_v.at[b, pl.ds(j * 128, 128)], gsem)

        def drain_gathers(b):
            pltpu.make_async_copy(h_hbm.at[pl.ds(0, CHUNK)], rows_v.at[b],
                                  gsem).wait()

        load_idx(0, 0, 0)
        load_idx(1, 0, 1)
        fire_gathers(0, 0)

        def quad(p2, carry):
            for pp in (0, 1):
                for b in (0, 1):
                    i = 4 * p2 + 2 * pp + b
                    q = pp
                    nq, nb = (q, 1 - b) if b == 0 else (1 - q, 1 - b)

                    @pl.when(i + 1 < iters)
                    def _():
                        fire_gathers(nq, nb)

                    @pl.when(i + 2 < iters)
                    def _():
                        load_idx(i + 2, 1 - q, b)

                    drain_gathers(b)
                    for j in range(SUB):
                        pltpu.sync_copy(rows_v.at[b, pl.ds(j * 128, 128)],
                                        acc.at[didx.at[q, b, j]], add=True)
            return carry

        lax.fori_loop(0, iters // 4, quad, 0)
        plsc.subcore_barrier()
        r0 = s * zr
        pltpu.sync_copy(acc.at[pl.ds(r0, zr)], out_hbm.at[c, pl.ds(r0, zr)])

    fn = pl.kernel(
        body,
        out_type=jax.ShapeDtypeStruct((2, n, 32), jnp.float32),
        mesh=_sc_mesh(),
        scratch_types=[
            pltpu.VMEM((2, 2, SUB, 128), jnp.int32),
            pltpu.VMEM((2, 2, SUB, 128), jnp.int32),
            pltpu.VMEM((2, CHUNK, 32), jnp.float32),
            pltpu.VMEM_SHARED((nacc, 32), jnp.float32),
            pltpu.SemaphoreType.DMA,
        ],
        compiler_params=_SC_PARAMS,
    )
    return fn(h2, src2, dst2, zeros_h)



_RP = 256


def _normp(deg_blk):
    return lax.rsqrt(jnp.maximum(deg_blk, 1.0))


def _tc_pre_body(x_ref, w_ref, b_ref, d_ref, o_ref):
    xb = x_ref[...]
    ns = _normp(d_ref[...])
    for c in (0, 1):
        h = jnp.tanh(jnp.dot(xb, w_ref[c], preferred_element_type=jnp.float32)
                     + b_ref[c])
        o_ref[c] = h * ns


def _tc_layer_body(a_ref, w_ref, b_ref, dd_ref, ds_ref, o_ref):
    nd = _normp(dd_ref[...])
    ns = _normp(ds_ref[...])
    a0 = a_ref[0] * nd
    a1 = a_ref[1] * nd
    for c in (0, 1):
        h = jnp.tanh(jnp.dot(a0, w_ref[0, c], preferred_element_type=jnp.float32)
                     + jnp.dot(a1, w_ref[1, c], preferred_element_type=jnp.float32)
                     + b_ref[c])
        o_ref[c] = h * ns


def _tc_final_body(a_ref, w2_ref, b2_ref, wd_ref, bd_ref, wc_ref, bc_ref,
                   dd_ref, o_ref):
    nd = _normp(dd_ref[...])
    a0 = a_ref[0] * nd
    a1 = a_ref[1] * nd
    g = [jnp.dot(a0, w2_ref[0, c], preferred_element_type=jnp.float32)
         + jnp.dot(a1, w2_ref[1, c], preferred_element_type=jnp.float32)
         + b2_ref[c] for c in (0, 1)]
    t = [jnp.tanh(jnp.dot(g[0], wd_ref[0, c], preferred_element_type=jnp.float32)
                  + jnp.dot(g[1], wd_ref[1, c], preferred_element_type=jnp.float32)
                  + bd_ref[c]) for c in (0, 1)]
    o_ref[...] = (jnp.dot(t[0], wc_ref[0], preferred_element_type=jnp.float32)
                  + jnp.dot(t[1], wc_ref[1], preferred_element_type=jnp.float32)
                  + bc_ref[...])


def _rp_spec(cols):
    return pl.BlockSpec((_RP, cols), lambda i: (i, 0))


def _fullb(*shape):
    nd = len(shape)
    return pl.BlockSpec(shape, lambda i, _nd=nd: (0,) * _nd)


def _packed_spec():
    return pl.BlockSpec((2, _RP, 128), lambda i: (0, i, 0))


def _tc_pre(x4, wbd, b2x, degp, n):
    return pl.pallas_call(
        _tc_pre_body,
        grid=(-(-(n // 4) // _RP),),
        in_specs=[_rp_spec(x4.shape[1]), _fullb(*wbd.shape),
                  _fullb(2, 1, 128), _rp_spec(128)],
        out_specs=_packed_spec(),
        out_shape=jax.ShapeDtypeStruct((2, n // 4, 128), jnp.float32),
    )(x4, wbd, b2x, degp)


def _tc_layer(a, wbd, b2x, degdp, degsp, n):
    return pl.pallas_call(
        _tc_layer_body,
        grid=(-(-(n // 4) // _RP),),
        in_specs=[_packed_spec(), _fullb(*wbd.shape), _fullb(2, 1, 128),
                  _rp_spec(128), _rp_spec(128)],
        out_specs=_packed_spec(),
        out_shape=jax.ShapeDtypeStruct((2, n // 4, 128), jnp.float32),
    )(a, wbd, b2x, degdp, degsp)


def _tc_final(a, w2bd, b2x, wdbd, bdx, wcbd, bcx, degdp, n):
    cols = wcbd.shape[2]
    return pl.pallas_call(
        _tc_final_body,
        grid=(-(-(n // 4) // _RP),),
        in_specs=[_packed_spec(), _fullb(*w2bd.shape), _fullb(2, 1, 128),
                  _fullb(*wdbd.shape), _fullb(2, 1, 128),
                  _fullb(*wcbd.shape), _fullb(1, cols), _rp_spec(128)],
        out_specs=pl.BlockSpec((_RP, cols), lambda i: (i, 0)),
        out_shape=jax.ShapeDtypeStruct((n // 4, cols), jnp.float32),
    )(a, w2bd, b2x, wdbd, bdx, wcbd, bcx, degdp)




def kernel(x, edge_index, W_in, b_in, W0, b0, W1, b1, W2, b2, Wd, bd, Wc, bc):
    n = x.shape[0]
    e = edge_index.shape[1]
    src = edge_index[0].astype(jnp.int32)
    dst = edge_index[1].astype(jnp.int32)

    n2 = 128 * (-(-n // 128))

    per_tile = -(-e // (NS * 4 * CHUNK)) * 4 * CHUNK
    e_pad = per_tile * NS
    iters = per_tile // CHUNK
    er = e_pad // 128
    padlen = e_pad - e
    pad0 = jnp.zeros((padlen,), jnp.int32)
    padn = jnp.full((padlen,), n, jnp.int32)
    src_g = jnp.concatenate([src, pad0])
    src_d = jnp.concatenate([src, padn])
    dst_p = jnp.concatenate([dst, padn])
    src2 = jnp.stack([src_g, src_g + n2]).reshape(2, er, 128)
    degidx = jnp.stack([src_d, dst_p]).reshape(2, er, 128)
    dst2 = dst_p.reshape(er, 128)

    nacc = n2
    zr = nacc // NS
    zeros16 = jnp.zeros((zr, 16), jnp.float32)
    zeros32 = jnp.zeros((zr, 32), jnp.float32)
    ones16 = jnp.ones((128, 16), jnp.float32)

    deg = _sc_degree(degidx, ones16, zeros16, n=n2, nacc=nacc, iters=iters)
    degp = jnp.broadcast_to(deg[:, :, 0:1], (2, n2, 32)).reshape(2, n2 // 4, 128)
    degsp = degp[0]
    degdp = degp[1]

    eye4 = jnp.eye(4, dtype=jnp.float32)

    def bd4(a):
        return jnp.kron(eye4, a)

    def bd_w64(w):
        wq = w.reshape(2, 32, 2, 32)
        return jnp.stack([jnp.stack([bd4(wq[h, :, c, :]) for c in (0, 1)])
                          for h in (0, 1)])

    def b128(b):
        return jnp.tile(b.reshape(2, 1, 32), (1, 1, 4))

    x4 = x.reshape(n // 4, 4 * x.shape[1])
    winq = W_in.reshape(-1, 2, 32)
    winbd = jnp.stack([bd4(winq[:, c, :]) for c in (0, 1)])
    w0bd, w1bd, w2bd, wdbd = (bd_w64(w) for w in (W0, W1, W2, Wd))
    wcq = Wc.reshape(2, 32, -1)
    wcbd = jnp.stack([bd4(wcq[c]) for c in (0, 1)])
    bcx = jnp.tile(bc, 4).reshape(1, -1)

    h = _tc_pre(x4, winbd, b128(b_in), degsp, n2)
    for wbd_, b_ in ((w0bd, b0), (w1bd, b1)):
        a = _sc_gather_scatter(h.reshape(2 * n2, 32), src2, dst2, zeros32,
                               n=n2, nacc=nacc, iters=iters)
        h = _tc_layer(a.reshape(2, n2 // 4, 128), wbd_, b128(b_),
                      degdp, degsp, n2)
    a = _sc_gather_scatter(h.reshape(2 * n2, 32), src2, dst2, zeros32,
                           n=n2, nacc=nacc, iters=iters)
    y4 = _tc_final(a.reshape(2, n2 // 4, 128), w2bd, b128(b2), wdbd, b128(bd),
                   wcbd, bcx, degdp, n2)
    return y4[:n // 4].reshape(n, -1)

# --- scband reference (transcript-rebuilt; emitter-appended) ---
"""Pipeline reference for scband-net-3118146257327 (READ-ONLY COPY).

The authoritative reference and input builder live on the scoring server;
editing this copy changes nothing except your own understanding.
"""

import jax, jax.numpy as jnp
import numpy as np

N = 50000
E = 800000

def gcn_layer(x, src, dst, W, b, n):
    ones = jnp.ones((src.shape[0],), x.dtype)
    out_deg = jax.ops.segment_sum(ones, src, num_segments=n)
    in_deg = jax.ops.segment_sum(ones, dst, num_segments=n)
    norm_src = jnp.clip(out_deg, 1.0, None) ** -0.5
    norm_dst = jnp.clip(in_deg, 1.0, None) ** -0.5
    h = x * norm_src[:, None]
    m = jnp.take(h, src, axis=0)
    agg = jax.ops.segment_sum(m, dst, num_segments=n)
    h = agg * norm_dst[:, None]
    return h @ W + b

def setup_inputs(seed: int = 0) -> dict:
    key = jax.random.key(seed)
    ks = jax.random.split(key, 16)
    x = jax.random.normal(ks[0], (N, 100), dtype=jnp.float32)
    edge_index = jax.random.randint(ks[1], (2, E), 0, N, dtype=jnp.int64)
    def lin(k, fi, fo):
        s = 1.0 / np.sqrt(fi)
        return jax.random.uniform(k, (fi, fo), jnp.float32, -s, s)
    W_in = lin(ks[2], 100, 64); b_in = jnp.zeros((64,), jnp.float32)
    W0 = lin(ks[3], 64, 64); b0 = jnp.zeros((64,), jnp.float32)
    W1 = lin(ks[4], 64, 64); b1 = jnp.zeros((64,), jnp.float32)
    W2 = lin(ks[5], 64, 64); b2 = jnp.zeros((64,), jnp.float32)
    Wd = lin(ks[6], 64, 64); bd = jnp.zeros((64,), jnp.float32)
    Wc = lin(ks[7], 64, 45); bc = jnp.zeros((45,), jnp.float32)
    return {"x": x, "edge_index": edge_index, "W_in": W_in, "b_in": b_in,
            "W0": W0, "b0": b0, "W1": W1, "b1": b1, "W2": W2, "b2": b2,
            "Wd": Wd, "bd": bd, "Wc": Wc, "bc": bc}

def reference(x, edge_index, W_in, b_in, W0, b0, W1, b1, W2, b2, Wd, bd, Wc, bc):
    src = edge_index[0]
    dst = edge_index[1]
    n = x.shape[0]
    # f_in: Linear(100,64) + Tanh
    h = jnp.tanh(x @ W_in + b_in)
    # gn0 -> tanh
    h = gcn_layer(h, src, dst, W0, b0, n)
    h = jnp.tanh(h)
    # gn1 -> tanh
    h = gcn_layer(h, src, dst, W1, b1, n)
    h = jnp.tanh(h)
    # gn2 (no tanh after)
    h = gcn_layer(h, src, dst, W2, b2, n)
    # Classifier: c(tanh(d(h)))
    y = jnp.tanh(h @ Wd + bd) @ Wc + bc
    return y

if __name__ == "__main__":
    import jax
    _d = setup_inputs()
    print(jax.jit(kernel)(*tuple(_d.values())))

</pallas_src>

<mosaic_0001>
#map = affine_map<(d0, d1) -> (0, 0, 0)>
#map1 = affine_map<(d0, d1) -> (0, 0)>
module attributes {stable_mosaic.version = 14 : i64} {
  func.func @body(%arg0: i32, %arg1: i32, %arg2: memref<2x6336x128xi32, #tpu.memory_space<hbm>>, %arg3: memref<128x16xf32, #tpu.memory_space<hbm>>, %arg4: memref<3128x16xf32, #tpu.memory_space<hbm>>, %arg5: memref<2x50048x16xf32, #tpu.memory_space<hbm>>, %arg6: memref<2x3x128xi32, #tpu.memory_space<vmem>>, %arg7: memref<128x16xf32, #tpu.memory_space<vmem>>, %arg8: memref<50048x16xf32, #tpu.memory_space<vmem_shared>>, %arg9: memref<!tpu.dma_semaphore, #tpu.memory_space<semaphore_mem>>) attributes {dimension_semantics = [#tpu.dimension_semantics<core_parallel>, #tpu.dimension_semantics<subcore_parallel>], iteration_bounds = array<i64: 2, 16>, scalar_prefetch = 0 : i64, scratch_operands = 4 : i64, tpu.core_type = #tpu.core_type<sc_vector_subcore>, window_params = [{transform_indices = #map}, {transform_indices = #map1}, {transform_indices = #map1}, {transform_indices = #map}]} {
    "tpu.region"() ({
      %run_scoped3A_12 = tpu.sem_alloc : memref<!tpu.dma_semaphore, #tpu.memory_space<semaphore_mem>>
      tpu.enqueue_dma source(%arg3 : memref<128x16xf32, #tpu.memory_space<hbm>>) target(%arg7 : memref<128x16xf32, #tpu.memory_space<vmem>>) target_semaphore(%run_scoped3A_12 : memref<!tpu.dma_semaphore, #tpu.memory_space<semaphore_mem>>)
      tpu.wait_dma2 semaphore(%run_scoped3A_12 : memref<!tpu.dma_semaphore, #tpu.memory_space<semaphore_mem>>) src(%arg3 : memref<128x16xf32, #tpu.memory_space<hbm>>) dst(%arg7 : memref<128x16xf32, #tpu.memory_space<vmem>>)
      tpu.yield
    }) : () -> ()
    %mul3A = arith.constant 3128 : i32
    %mul3A_0 = arith.muli %arg1, %mul3A : i32
    "tpu.region"() ({
      %run_scoped3A_12 = tpu.sem_alloc : memref<!tpu.dma_semaphore, #tpu.memory_space<semaphore_mem>>
      %dma_start3A = arith.constant 0 : i32
      %dma_start3A_13 = tpu.memref_slice %arg8[%mul3A_0, %dma_start3A] : memref<50048x16xf32, #tpu.memory_space<vmem_shared>> -> memref<3128x16xf32, #tpu.memory_space<vmem_shared>>
      tpu.enqueue_dma source(%arg4 : memref<3128x16xf32, #tpu.memory_space<hbm>>) target(%dma_start3A_13 : memref<3128x16xf32, #tpu.memory_space<vmem_shared>>) target_semaphore(%run_scoped3A_12 : memref<!tpu.dma_semaphore, #tpu.memory_space<semaphore_mem>>)
      %dma_wait3A = arith.constant 0 : i32
      %dma_wait3A_14 = tpu.memref_slice %arg8[%mul3A_0, %dma_wait3A] : memref<50048x16xf32, #tpu.memory_space<vmem_shared>> -> memref<3128x16xf32, #tpu.memory_space<vmem_shared>>
      tpu.wait_dma2 semaphore(%run_scoped3A_12 : memref<!tpu.dma_semaphore, #tpu.memory_space<semaphore_mem>>) src(%arg4 : memref<3128x16xf32, #tpu.memory_space<hbm>>) dst(%dma_wait3A_14 : memref<3128x16xf32, #tpu.memory_space<vmem_shared>>)
      tpu.yield
    }) : () -> ()
    %barrier3A = arith.constant 0 : index
    tpu.barrier barrier_id(%barrier3A)
    %mul3A_1 = arith.constant 396 : i32
    %mul3A_2 = arith.muli %arg1, %mul3A_1 : i32
    %add3A = arith.constant 0 : i32
    %add3A_3 = arith.addi %mul3A_2, %add3A : i32
    %run_scoped3A = arith.constant 0 : i32
    "tpu.region"() ({
      %run_scoped3A_12 = tpu.sem_alloc : memref<!tpu.dma_semaphore, #tpu.memory_space<semaphore_mem>>
      %dma_start3A = arith.constant 0 : i32
      %dma_start3A_13 = arith.constant 0 : i32
      %dma_start3A_14 = tpu.memref_slice %arg6[%run_scoped3A, %dma_start3A, %dma_start3A_13] : memref<2x3x128xi32, #tpu.memory_space<vmem>> -> memref<1x3x128xi32, #tpu.memory_space<vmem>>
      %dma_start3A_15 = tpu.memref_squeeze %dma_start3A_14 : memref<1x3x128xi32, #tpu.memory_space<vmem>> -> memref<3x128xi32, #tpu.memory_space<vmem>>
      %dma_start3A_16 = arith.constant 0 : i32
      %dma_start3A_17 = tpu.memref_slice %arg2[%arg0, %add3A_3, %dma_start3A_16] : memref<2x6336x128xi32, #tpu.memory_space<hbm>> -> memref<1x3x128xi32, #tpu.memory_space<hbm>>
      %dma_start3A_18 = tpu.memref_squeeze %dma_start3A_17 : memref<1x3x128xi32, #tpu.memory_space<hbm>> -> memref<3x128xi32, #tpu.memory_space<hbm>>
      %dma_start3A_19 = arith.constant 0 : i32
      %dma_start3A_20 = arith.constant 0 : i32
      %dma_start3A_21 = tpu.memref_slice %arg6[%run_scoped3A, %dma_start3A_19, %dma_start3A_20] : memref<2x3x128xi32, #tpu.memory_space<vmem>> -> memref<1x3x128xi32, #tpu.memory_space<vmem>>
      %dma_start3A_22 = tpu.memref_squeeze %dma_start3A_21 : memref<1x3x128xi32, #tpu.memory_space<vmem>> -> memref<3x128xi32, #tpu.memory_space<vmem>>
      %dma_start3A_23 = arith.constant 0 : i32
      %dma_start3A_24 = tpu.memref_slice %arg2[%arg0, %add3A_3, %dma_start3A_23] : memref<2x6336x128xi32, #tpu.memory_space<hbm>> -> memref<1x3x128xi32, #tpu.memory_space<hbm>>
      %dma_start3A_25 = tpu.memref_squeeze %dma_start3A_24 : memref<1x3x128xi32, #tpu.memory_space<hbm>> -> memref<3x128xi32, #tpu.memory_space<hbm>>
      tpu.enqueue_dma source(%dma_start3A_25 : memref<3x128xi32, #tpu.memory_space<hbm>>) target(%dma_start3A_22 : memref<3x128xi32, #tpu.memory_space<vmem>>) target_semaphore(%run_scoped3A_12 : memref<!tpu.dma_semaphore, #tpu.memory_space<semaphore_mem>>)
      %dma_wait3A = arith.constant 0 : i32
      %dma_wait3A_26 = arith.constant 0 : i32
      %dma_wait3A_27 = tpu.memref_slice %arg6[%run_scoped3A, %dma_wait3A, %dma_wait3A_26] : memref<2x3x128xi32, #tpu.memory_space<vmem>> -> memref<1x3x128xi32, #tpu.memory_space<vmem>>
      %dma_wait3A_28 = tpu.memref_squeeze %dma_wait3A_27 : memref<1x3x128xi32, #tpu.memory_space<vmem>> -> memref<3x128xi32, #tpu.memory_space<vmem>>
      %dma_wait3A_29 = arith.constant 0 : i32
      %dma_wait3A_30 = tpu.memref_slice %arg2[%arg0, %add3A_3, %dma_wait3A_29] : memref<2x6336x128xi32, #tpu.memory_space<hbm>> -> memref<1x3x128xi32, #tpu.memory_space<hbm>>
      %dma_wait3A_31 = tpu.memref_squeeze %dma_wait3A_30 : memref<1x3x128xi32, #tpu.memory_space<hbm>> -> memref<3x128xi32, #tpu.memory_space<hbm>>
      %dma_wait3A_32 = arith.constant 0 : i32
      %dma_wait3A_33 = arith.constant 0 : i32
      %dma_wait3A_34 = tpu.memref_slice %arg6[%run_scoped3A, %dma_wait3A_32, %dma_wait3A_33] : memref<2x3x128xi32, #tpu.memory_space<vmem>> -> memref<1x3x128xi32, #tpu.memory_space<vmem>>
      %dma_wait3A_35 = tpu.memref_squeeze %dma_wait3A_34 : memref<1x3x128xi32, #tpu.memory_space<vmem>> -> memref<3x128xi32, #tpu.memory_space<vmem>>
      %dma_wait3A_36 = arith.constant 0 : i32
      %dma_wait3A_37 = tpu.memref_slice %arg2[%arg0, %add3A_3, %dma_wait3A_36] : memref<2x6336x128xi32, #tpu.memory_space<hbm>> -> memref<1x3x128xi32, #tpu.memory_space<hbm>>
      %dma_wait3A_38 = tpu.memref_squeeze %dma_wait3A_37 : memref<1x3x128xi32, #tpu.memory_space<hbm>> -> memref<3x128xi32, #tpu.memory_space<hbm>>
      tpu.wait_dma2 semaphore(%run_scoped3A_12 : memref<!tpu.dma_semaphore, #tpu.memory_space<semaphore_mem>>) src(%dma_wait3A_38 : memref<3x128xi32, #tpu.memory_space<hbm>>) dst(%dma_wait3A_35 : memref<3x128xi32, #tpu.memory_space<vmem>>)
      tpu.yield
    }) : () -> ()
    %scan3A = arith.constant 0 : i32
    %scan3A_4 = arith.constant 0 : i32
    %scan3A_5 = arith.constant 66 : i32
    %scan3A_6 = arith.addi %scan3A_4, %scan3A_5 : i32
    %scan3A_7 = arith.constant 1 : i32
    scf.for %scan3A_12 = %scan3A_4 to %scan3A_6 step %scan3A_7  : i32 {
      %mul3A_13 = arith.constant 2 : i32
      %mul3A_14 = arith.muli %mul3A_13, %scan3A_12 : i32
      %add3A_15 = arith.constant 0 : i32
      %add3A_16 = arith.addi %mul3A_14, %add3A_15 : i32
      %add3A_17 = arith.constant 1 : i32
      %add3A_18 = arith.addi %add3A_16, %add3A_17 : i32
      %lt3A = arith.constant 132 : i32
      %lt3A_19 = arith.cmpi slt, %add3A_18, %lt3A : i32
      %convert_element_type3A = arith.extui %lt3A_19 : i1 to i32
      %cond3A = arith.constant 0 : i32
      %cond3A_20 = arith.cmpi ne, %convert_element_type3A, %cond3A : i32
      scf.if %cond3A_20 {
        %add3A_58 = arith.constant 1 : i32
        %add3A_59 = arith.addi %add3A_16, %add3A_58 : i32
        %mul3A_60 = arith.constant 396 : i32
        %mul3A_61 = arith.muli %arg1, %mul3A_60 : i32
        %mul3A_62 = arith.constant 3 : i32
        %mul3A_63 = arith.muli %add3A_59, %mul3A_62 : i32
        %add3A_64 = arith.addi %mul3A_61, %mul3A_63 : i32
        %dma_start3A = arith.constant 1 : i32
        %dma_start3A_65 = arith.constant 0 : i32
        %dma_start3A_66 = arith.constant 0 : i32
        %dma_start3A_67 = tpu.memref_slice %arg6[%dma_start3A, %dma_start3A_65, %dma_start3A_66] : memref<2x3x128xi32, #tpu.memory_space<vmem>> -> memref<1x3x128xi32, #tpu.memory_space<vmem>>
        %dma_start3A_68 = tpu.memref_squeeze %dma_start3A_67 : memref<1x3x128xi32, #tpu.memory_space<vmem>> -> memref<3x128xi32, #tpu.memory_space<vmem>>
        %dma_start3A_69 = arith.constant 0 : i32
        %dma_start3A_70 = tpu.memref_slice %arg2[%arg0, %add3A_64, %dma_start3A_69] : memref<2x6336x128xi32, #tpu.memory_space<hbm>> -> memref<1x3x128xi32, #tpu.memory_space<hbm>>
        %dma_start3A_71 = tpu.memref_squeeze %dma_start3A_70 : memref<1x3x128xi32, #tpu.memory_space<hbm>> -> memref<3x128xi32, #tpu.memory_space<hbm>>
        %dma_start3A_72 = arith.constant 0 : i32
        %dma_start3A_73 = arith.constant 0 : i32
        %dma_start3A_74 = tpu.memref_slice %arg6[%dma_start3A, %dma_start3A_72, %dma_start3A_73] : memref<2x3x128xi32, #tpu.memory_space<vmem>> -> memref<1x3x128xi32, #tpu.memory_space<vmem>>
        %dma_start3A_75 = tpu.memref_squeeze %dma_start3A_74 : memref<1x3x128xi32, #tpu.memory_space<vmem>> -> memref<3x128xi32, #tpu.memory_space<vmem>>
        %dma_start3A_76 = arith.constant 0 : i32
        %dma_start3A_77 = tpu.memref_slice %arg2[%arg0, %add3A_64, %dma_start3A_76] : memref<2x6336x128xi32, #tpu.memory_space<hbm>> -> memref<1x3x128xi32, #tpu.memory_space<hbm>>
        %dma_start3A_78 = tpu.memref_squeeze %dma_start3A_77 : memref<1x3x128xi32, #tpu.memory_space<hbm>> -> memref<3x128xi32, #tpu.memory_space<hbm>>
        tpu.enqueue_dma source(%dma_start3A_78 : memref<3x128xi32, #tpu.memory_space<hbm>>) target(%dma_start3A_75 : memref<3x128xi32, #tpu.memory_space<vmem>>) target_semaphore(%arg9 : memref<!tpu.dma_semaphore, #tpu.memory_space<semaphore_mem>>)
      } else {
      }
      %run_scoped3A_21 = arith.constant 0 : i32
      %run_scoped3A_22 = arith.constant 0 : i32
      "tpu.region"() ({
        %run_scoped3A_58 = tpu.sem_alloc : memref<!tpu.dma_semaphore, #tpu.memory_space<semaphore_mem>>
        %dma_start3A = arith.constant 0 : i32
        %dma_start3A_59 = tpu.memref_slice %arg6[%run_scoped3A_21, %run_scoped3A_22, %dma_start3A] : memref<2x3x128xi32, #tpu.memory_space<vmem>> -> memref<1x1x128xi32, #tpu.memory_space<vmem>>
        %dma_start3A_60 = tpu.memref_squeeze %dma_start3A_59 : memref<1x1x128xi32, #tpu.memory_space<vmem>> -> memref<128xi32, #tpu.memory_space<vmem>>
        %dma_start3A_61 = arith.constant 0 : i32
        %dma_start3A_62 = arith.constant 0 : i32
        %dma_start3A_63 = tpu.memref_slice %arg8[%dma_start3A_61, %dma_start3A_62] : memref<50048x16xf32, #tpu.memory_space<vmem_shared>> -> memref<50048x16xf32, #tpu.memory_space<vmem_shared>>
        tpu.enqueue_indirect_dma source(%arg7 : memref<128x16xf32, #tpu.memory_space<vmem>>) target(%dma_start3A_63 : memref<50048x16xf32, #tpu.memory_space<vmem_shared>>) offsets(%dma_start3A_60 : memref<128xi32, #tpu.memory_space<vmem>>) semaphore(%run_scoped3A_58 : memref<!tpu.dma_semaphore, #tpu.memory_space<semaphore_mem>>) {add = true}
        %dma_wait3A = arith.constant 0 : i32
        %dma_wait3A_64 = tpu.memref_slice %arg6[%run_scoped3A_21, %run_scoped3A_22, %dma_wait3A] : memref<2x3x128xi32, #tpu.memory_space<vmem>> -> memref<1x1x128xi32, #tpu.memory_space<vmem>>
        %dma_wait3A_65 = tpu.memref_squeeze %dma_wait3A_64 : memref<1x1x128xi32, #tpu.memory_space<vmem>> -> memref<128xi32, #tpu.memory_space<vmem>>
        %dma_wait3A_66 = arith.constant 0 : i32
        %dma_wait3A_67 = arith.constant 0 : i32
        %dma_wait3A_68 = tpu.memref_slice %arg8[%dma_wait3A_66, %dma_wait3A_67] : memref<50048x16xf32, #tpu.memory_space<vmem_shared>> -> memref<50048x16xf32, #tpu.memory_space<vmem_shared>>
        tpu.wait_indirect_dma semaphore(%run_scoped3A_58 : memref<!tpu.dma_semaphore, #tpu.memory_space<semaphore_mem>>) src(%arg7 : memref<128x16xf32, #tpu.memory_space<vmem>>) dst(%dma_wait3A_68 : memref<50048x16xf32, #tpu.memory_space<vmem_shared>>)
        tpu.yield
      }) : () -> ()
      %run_scoped3A_23 = arith.constant 0 : i32
      %run_scoped3A_24 = arith.constant 1 : i32
      "tpu.region"() ({
        %run_scoped3A_58 = tpu.sem_alloc : memref<!tpu.dma_semaphore, #tpu.memory_space<semaphore_mem>>
        %dma_start3A = arith.constant 0 : i32
        %dma_start3A_59 = tpu.memref_slice %arg6[%run_scoped3A_23, %run_scoped3A_24, %dma_start3A] : memref<2x3x128xi32, #tpu.memory_space<vmem>> -> memref<1x1x128xi32, #tpu.memory_space<vmem>>
        %dma_start3A_60 = tpu.memref_squeeze %dma_start3A_59 : memref<1x1x128xi32, #tpu.memory_space<vmem>> -> memref<128xi32, #tpu.memory_space<vmem>>
        %dma_start3A_61 = arith.constant 0 : i32
        %dma_start3A_62 = arith.constant 0 : i32
        %dma_start3A_63 = tpu.memref_slice %arg8[%dma_start3A_61, %dma_start3A_62] : memref<50048x16xf32, #tpu.memory_space<vmem_shared>> -> memref<50048x16xf32, #tpu.memory_space<vmem_shared>>
        tpu.enqueue_indirect_dma source(%arg7 : memref<128x16xf32, #tpu.memory_space<vmem>>) target(%dma_start3A_63 : memref<50048x16xf32, #tpu.memory_space<vmem_shared>>) offsets(%dma_start3A_60 : memref<128xi32, #tpu.memory_space<vmem>>) semaphore(%run_scoped3A_58 : memref<!tpu.dma_semaphore, #tpu.memory_space<semaphore_mem>>) {add = true}
        %dma_wait3A = arith.constant 0 : i32
        %dma_wait3A_64 = tpu.memref_slice %arg6[%run_scoped3A_23, %run_scoped3A_24, %dma_wait3A] : memref<2x3x128xi32, #tpu.memory_space<vmem>> -> memref<1x1x128xi32, #tpu.memory_space<vmem>>
        %dma_wait3A_65 = tpu.memref_squeeze %dma_wait3A_64 : memref<1x1x128xi32, #tpu.memory_space<vmem>> -> memref<128xi32, #tpu.memory_space<vmem>>
        %dma_wait3A_66 = arith.constant 0 : i32
        %dma_wait3A_67 = arith.constant 0 : i32
        %dma_wait3A_68 = tpu.memref_slice %arg8[%dma_wait3A_66, %dma_wait3A_67] : memref<50048x16xf32, #tpu.memory_space<vmem_shared>> -> memref<50048x16xf32, #tpu.memory_space<vmem_shared>>
        tpu.wait_indirect_dma semaphore(%run_scoped3A_58 : memref<!tpu.dma_semaphore, #tpu.memory_space<semaphore_mem>>) src(%arg7 : memref<128x16xf32, #tpu.memory_space<vmem>>) dst(%dma_wait3A_68 : memref<50048x16xf32, #tpu.memory_space<vmem_shared>>)
        tpu.yield
      }) : () -> ()
      %run_scoped3A_25 = arith.constant 0 : i32
      %run_scoped3A_26 = arith.constant 2 : i32
      "tpu.region"() ({
        %run_scoped3A_58 = tpu.sem_alloc : memref<!tpu.dma_semaphore, #tpu.memory_space<semaphore_mem>>
        %dma_start3A = arith.constant 0 : i32
        %dma_start3A_59 = tpu.memref_slice %arg6[%run_scoped3A_25, %run_scoped3A_26, %dma_start3A] : memref<2x3x128xi32, #tpu.memory_space<vmem>> -> memref<1x1x128xi32, #tpu.memory_space<vmem>>
        %dma_start3A_60 = tpu.memref_squeeze %dma_start3A_59 : memref<1x1x128xi32, #tpu.memory_space<vmem>> -> memref<128xi32, #tpu.memory_space<vmem>>
        %dma_start3A_61 = arith.constant 0 : i32
        %dma_start3A_62 = arith.constant 0 : i32
        %dma_start3A_63 = tpu.memref_slice %arg8[%dma_start3A_61, %dma_start3A_62] : memref<50048x16xf32, #tpu.memory_space<vmem_shared>> -> memref<50048x16xf32, #tpu.memory_space<vmem_shared>>
        tpu.enqueue_indirect_dma source(%arg7 : memref<128x16xf32, #tpu.memory_space<vmem>>) target(%dma_start3A_63 : memref<50048x16xf32, #tpu.memory_space<vmem_shared>>) offsets(%dma_start3A_60 : memref<128xi32, #tpu.memory_space<vmem>>) semaphore(%run_scoped3A_58 : memref<!tpu.dma_semaphore, #tpu.memory_space<semaphore_mem>>) {add = true}
        %dma_wait3A = arith.constant 0 : i32
        %dma_wait3A_64 = tpu.memref_slice %arg6[%run_scoped3A_25, %run_scoped3A_26, %dma_wait3A] : memref<2x3x128xi32, #tpu.memory_space<vmem>> -> memref<1x1x128xi32, #tpu.memory_space<vmem>>
        %dma_wait3A_65 = tpu.memref_squeeze %dma_wait3A_64 : memref<1x1x128xi32, #tpu.memory_space<vmem>> -> memref<128xi32, #tpu.memory_space<vmem>>
        %dma_wait3A_66 = arith.constant 0 : i32
        %dma_wait3A_67 = arith.constant 0 : i32
        %dma_wait3A_68 = tpu.memref_slice %arg8[%dma_wait3A_66, %dma_wait3A_67] : memref<50048x16xf32, #tpu.memory_space<vmem_shared>> -> memref<50048x16xf32, #tpu.memory_space<vmem_shared>>
        tpu.wait_indirect_dma semaphore(%run_scoped3A_58 : memref<!tpu.dma_semaphore, #tpu.memory_space<semaphore_mem>>) src(%arg7 : memref<128x16xf32, #tpu.memory_space<vmem>>) dst(%dma_wait3A_68 : memref<50048x16xf32, #tpu.memory_space<vmem_shared>>)
        tpu.yield
      }) : () -> ()
      %add3A_27 = arith.constant 1 : i32
      %add3A_28 = arith.addi %add3A_16, %add3A_27 : i32
      %lt3A_29 = arith.constant 132 : i32
      %lt3A_30 = arith.cmpi slt, %add3A_28, %lt3A_29 : i32
      %convert_element_type3A_31 = arith.extui %lt3A_30 : i1 to i32
      %cond3A_32 = arith.constant 0 : i32
      %cond3A_33 = arith.cmpi ne, %convert_element_type3A_31, %cond3A_32 : i32
      scf.if %cond3A_33 {
        %add3A_58 = arith.constant 1 : i32
        %add3A_59 = arith.addi %add3A_16, %add3A_58 : i32
        %mul3A_60 = arith.constant 396 : i32
        %mul3A_61 = arith.muli %arg1, %mul3A_60 : i32
        %mul3A_62 = arith.constant 3 : i32
        %mul3A_63 = arith.muli %add3A_59, %mul3A_62 : i32
        %add3A_64 = arith.addi %mul3A_61, %mul3A_63 : i32
        %dma_wait3A = arith.constant 1 : i32
        %dma_wait3A_65 = arith.constant 0 : i32
        %dma_wait3A_66 = arith.constant 0 : i32
        %dma_wait3A_67 = tpu.memref_slice %arg6[%dma_wait3A, %dma_wait3A_65, %dma_wait3A_66] : memref<2x3x128xi32, #tpu.memory_space<vmem>> -> memref<1x3x128xi32, #tpu.memory_space<vmem>>
        %dma_wait3A_68 = tpu.memref_squeeze %dma_wait3A_67 : memref<1x3x128xi32, #tpu.memory_space<vmem>> -> memref<3x128xi32, #tpu.memory_space<vmem>>
        %dma_wait3A_69 = arith.constant 0 : i32
        %dma_wait3A_70 = tpu.memref_slice %arg2[%arg0, %add3A_64, %dma_wait3A_69] : memref<2x6336x128xi32, #tpu.memory_space<hbm>> -> memref<1x3x128xi32, #tpu.memory_space<hbm>>
        %dma_wait3A_71 = tpu.memref_squeeze %dma_wait3A_70 : memref<1x3x128xi32, #tpu.memory_space<hbm>> -> memref<3x128xi32, #tpu.memory_space<hbm>>
        %dma_wait3A_72 = arith.constant 0 : i32
        %dma_wait3A_73 = arith.constant 0 : i32
        %dma_wait3A_74 = tpu.memref_slice %arg6[%dma_wait3A, %dma_wait3A_72, %dma_wait3A_73] : memref<2x3x128xi32, #tpu.memory_space<vmem>> -> memref<1x3x128xi32, #tpu.memory_space<vmem>>
        %dma_wait3A_75 = tpu.memref_squeeze %dma_wait3A_74 : memref<1x3x128xi32, #tpu.memory_space<vmem>> -> memref<3x128xi32, #tpu.memory_space<vmem>>
        %dma_wait3A_76 = arith.constant 0 : i32
        %dma_wait3A_77 = tpu.memref_slice %arg2[%arg0, %add3A_64, %dma_wait3A_76] : memref<2x6336x128xi32, #tpu.memory_space<hbm>> -> memref<1x3x128xi32, #tpu.memory_space<hbm>>
        %dma_wait3A_78 = tpu.memref_squeeze %dma_wait3A_77 : memref<1x3x128xi32, #tpu.memory_space<hbm>> -> memref<3x128xi32, #tpu.memory_space<hbm>>
        tpu.wait_dma2 semaphore(%arg9 : memref<!tpu.dma_semaphore, #tpu.memory_space<semaphore_mem>>) src(%dma_wait3A_78 : memref<3x128xi32, #tpu.memory_space<hbm>>) dst(%dma_wait3A_75 : memref<3x128xi32, #tpu.memory_space<vmem>>)
      } else {
      }
      %mul3A_34 = arith.constant 2 : i32
      %mul3A_35 = arith.muli %mul3A_34, %scan3A_12 : i32
      %add3A_36 = arith.constant 1 : i32
      %add3A_37 = arith.addi %mul3A_35, %add3A_36 : i32
      %add3A_38 = arith.constant 1 : i32
      %add3A_39 = arith.addi %add3A_37, %add3A_38 : i32
      %lt3A_40 = arith.constant 132 : i32
      %lt3A_41 = arith.cmpi slt, %add3A_39, %lt3A_40 : i32
      %convert_element_type3A_42 = arith.extui %lt3A_41 : i1 to i32
      %cond3A_43 = arith.constant 0 : i32
      %cond3A_44 = arith.cmpi ne, %convert_element_type3A_42, %cond3A_43 : i32
      scf.if %cond3A_44 {
        %add3A_58 = arith.constant 1 : i32
        %add3A_59 = arith.addi %add3A_37, %add3A_58 : i32
        %mul3A_60 = arith.constant 396 : i32
        %mul3A_61 = arith.muli %arg1, %mul3A_60 : i32
        %mul3A_62 = arith.constant 3 : i32
        %mul3A_63 = arith.muli %add3A_59, %mul3A_62 : i32
        %add3A_64 = arith.addi %mul3A_61, %mul3A_63 : i32
        %dma_start3A = arith.constant 0 : i32
        %dma_start3A_65 = arith.constant 0 : i32
        %dma_start3A_66 = arith.constant 0 : i32
        %dma_start3A_67 = tpu.memref_slice %arg6[%dma_start3A, %dma_start3A_65, %dma_start3A_66] : memref<2x3x128xi32, #tpu.memory_space<vmem>> -> memref<1x3x128xi32, #tpu.memory_space<vmem>>
        %dma_start3A_68 = tpu.memref_squeeze %dma_start3A_67 : memref<1x3x128xi32, #tpu.memory_space<vmem>> -> memref<3x128xi32, #tpu.memory_space<vmem>>
        %dma_start3A_69 = arith.constant 0 : i32
        %dma_start3A_70 = tpu.memref_slice %arg2[%arg0, %add3A_64, %dma_start3A_69] : memref<2x6336x128xi32, #tpu.memory_space<hbm>> -> memref<1x3x128xi32, #tpu.memory_space<hbm>>
        %dma_start3A_71 = tpu.memref_squeeze %dma_start3A_70 : memref<1x3x128xi32, #tpu.memory_space<hbm>> -> memref<3x128xi32, #tpu.memory_space<hbm>>
        %dma_start3A_72 = arith.constant 0 : i32
        %dma_start3A_73 = arith.constant 0 : i32
        %dma_start3A_74 = tpu.memref_slice %arg6[%dma_start3A, %dma_start3A_72, %dma_start3A_73] : memref<2x3x128xi32, #tpu.memory_space<vmem>> -> memref<1x3x128xi32, #tpu.memory_space<vmem>>
        %dma_start3A_75 = tpu.memref_squeeze %dma_start3A_74 : memref<1x3x128xi32, #tpu.memory_space<vmem>> -> memref<3x128xi32, #tpu.memory_space<vmem>>
        %dma_start3A_76 = arith.constant 0 : i32
        %dma_start3A_77 = tpu.memref_slice %arg2[%arg0, %add3A_64, %dma_start3A_76] : memref<2x6336x128xi32, #tpu.memory_space<hbm>> -> memref<1x3x128xi32, #tpu.memory_space<hbm>>
        %dma_start3A_78 = tpu.memref_squeeze %dma_start3A_77 : memref<1x3x128xi32, #tpu.memory_space<hbm>> -> memref<3x128xi32, #tpu.memory_space<hbm>>
        tpu.enqueue_dma source(%dma_start3A_78 : memref<3x128xi32, #tpu.memory_space<hbm>>) target(%dma_start3A_75 : memref<3x128xi32, #tpu.memory_space<vmem>>) target_semaphore(%arg9 : memref<!tpu.dma_semaphore, #tpu.memory_space<semaphore_mem>>)
      } else {
      }
      %run_scoped3A_45 = arith.constant 1 : i32
      %run_scoped3A_46 = arith.constant 0 : i32
      "tpu.region"() ({
        %run_scoped3A_58 = tpu.sem_alloc : memref<!tpu.dma_semaphore, #tpu.memory_space<semaphore_mem>>
        %dma_start3A = arith.constant 0 : i32
        %dma_start3A_59 = tpu.memref_slice %arg6[%run_scoped3A_45, %run_scoped3A_46, %dma_start3A] : memref<2x3x128xi32, #tpu.memory_space<vmem>> -> memref<1x1x128xi32, #tpu.memory_space<vmem>>
        %dma_start3A_60 = tpu.memref_squeeze %dma_start3A_59 : memref<1x1x128xi32, #tpu.memory_space<vmem>> -> memref<128xi32, #tpu.memory_space<vmem>>
        %dma_start3A_61 = arith.constant 0 : i32
        %dma_start3A_62 = arith.constant 0 : i32
        %dma_start3A_63 = tpu.memref_slice %arg8[%dma_start3A_61, %dma_start3A_62] : memref<50048x16xf32, #tpu.memory_space<vmem_shared>> -> memref<50048x16xf32, #tpu.memory_space<vmem_shared>>
        tpu.enqueue_indirect_dma source(%arg7 : memref<128x16xf32, #tpu.memory_space<vmem>>) target(%dma_start3A_63 : memref<50048x16xf32, #tpu.memory_space<vmem_shared>>) offsets(%dma_start3A_60 : memref<128xi32, #tpu.memory_space<vmem>>) semaphore(%run_scoped3A_58 : memref<!tpu.dma_semaphore, #tpu.memory_space<semaphore_mem>>) {add = true}
        %dma_wait3A = arith.constant 0 : i32
        %dma_wait3A_64 = tpu.memref_slice %arg6[%run_scoped3A_45, %run_scoped3A_46, %dma_wait3A] : memref<2x3x128xi32, #tpu.memory_space<vmem>> -> memref<1x1x128xi32, #tpu.memory_space<vmem>>
        %dma_wait3A_65 = tpu.memref_squeeze %dma_wait3A_64 : memref<1x1x128xi32, #tpu.memory_space<vmem>> -> memref<128xi32, #tpu.memory_space<vmem>>
        %dma_wait3A_66 = arith.constant 0 : i32
        %dma_wait3A_67 = arith.constant 0 : i32
        %dma_wait3A_68 = tpu.memref_slice %arg8[%dma_wait3A_66, %dma_wait3A_67] : memref<50048x16xf32, #tpu.memory_space<vmem_shared>> -> memref<50048x16xf32, #tpu.memory_space<vmem_shared>>
        tpu.wait_indirect_dma semaphore(%run_scoped3A_58 : memref<!tpu.dma_semaphore, #tpu.memory_space<semaphore_mem>>) src(%arg7 : memref<128x16xf32, #tpu.memory_space<vmem>>) dst(%dma_wait3A_68 : memref<50048x16xf32, #tpu.memory_space<vmem_shared>>)
        tpu.yield
      }) : () -> ()
      %run_scoped3A_47 = arith.constant 1 : i32
      %run_scoped3A_48 = arith.constant 1 : i32
      "tpu.region"() ({
        %run_scoped3A_58 = tpu.sem_alloc : memref<!tpu.dma_semaphore, #tpu.memory_space<semaphore_mem>>
        %dma_start3A = arith.constant 0 : i32
        %dma_start3A_59 = tpu.memref_slice %arg6[%run_scoped3A_47, %run_scoped3A_48, %dma_start3A] : memref<2x3x128xi32, #tpu.memory_space<vmem>> -> memref<1x1x128xi32, #tpu.memory_space<vmem>>
        %dma_start3A_60 = tpu.memref_squeeze %dma_start3A_59 : memref<1x1x128xi32, #tpu.memory_space<vmem>> -> memref<128xi32, #tpu.memory_space<vmem>>
        %dma_start3A_61 = arith.constant 0 : i32
        %dma_start3A_62 = arith.constant 0 : i32
        %dma_start3A_63 = tpu.memref_slice %arg8[%dma_start3A_61, %dma_start3A_62] : memref<50048x16xf32, #tpu.memory_space<vmem_shared>> -> memref<50048x16xf32, #tpu.memory_space<vmem_shared>>
        tpu.enqueue_indirect_dma source(%arg7 : memref<128x16xf32, #tpu.memory_space<vmem>>) target(%dma_start3A_63 : memref<50048x16xf32, #tpu.memory_space<vmem_shared>>) offsets(%dma_start3A_60 : memref<128xi32, #tpu.memory_space<vmem>>) semaphore(%run_scoped3A_58 : memref<!tpu.dma_semaphore, #tpu.memory_space<semaphore_mem>>) {add = true}
        %dma_wait3A = arith.constant 0 : i32
        %dma_wait3A_64 = tpu.memref_slice %arg6[%run_scoped3A_47, %run_scoped3A_48, %dma_wait3A] : memref<2x3x128xi32, #tpu.memory_space<vmem>> -> memref<1x1x128xi32, #tpu.memory_space<vmem>>
        %dma_wait3A_65 = tpu.memref_squeeze %dma_wait3A_64 : memref<1x1x128xi32, #tpu.memory_space<vmem>> -> memref<128xi32, #tpu.memory_space<vmem>>
        %dma_wait3A_66 = arith.constant 0 : i32
        %dma_wait3A_67 = arith.constant 0 : i32
        %dma_wait3A_68 = tpu.memref_slice %arg8[%dma_wait3A_66, %dma_wait3A_67] : memref<50048x16xf32, #tpu.memory_space<vmem_shared>> -> memref<50048x16xf32, #tpu.memory_space<vmem_shared>>
        tpu.wait_indirect_dma semaphore(%run_scoped3A_58 : memref<!tpu.dma_semaphore, #tpu.memory_space<semaphore_mem>>) src(%arg7 : memref<128x16xf32, #tpu.memory_space<vmem>>) dst(%dma_wait3A_68 : memref<50048x16xf32, #tpu.memory_space<vmem_shared>>)
        tpu.yield
      }) : () -> ()
      %run_scoped3A_49 = arith.constant 1 : i32
      %run_scoped3A_50 = arith.constant 2 : i32
      "tpu.region"() ({
        %run_scoped3A_58 = tpu.sem_alloc : memref<!tpu.dma_semaphore, #tpu.memory_space<semaphore_mem>>
        %dma_start3A = arith.constant 0 : i32
        %dma_start3A_59 = tpu.memref_slice %arg6[%run_scoped3A_49, %run_scoped3A_50, %dma_start3A] : memref<2x3x128xi32, #tpu.memory_space<vmem>> -> memref<1x1x128xi32, #tpu.memory_space<vmem>>
        %dma_start3A_60 = tpu.memref_squeeze %dma_start3A_59 : memref<1x1x128xi32, #tpu.memory_space<vmem>> -> memref<128xi32, #tpu.memory_space<vmem>>
        %dma_start3A_61 = arith.constant 0 : i32
        %dma_start3A_62 = arith.constant 0 : i32
        %dma_start3A_63 = tpu.memref_slice %arg8[%dma_start3A_61, %dma_start3A_62] : memref<50048x16xf32, #tpu.memory_space<vmem_shared>> -> memref<50048x16xf32, #tpu.memory_space<vmem_shared>>
        tpu.enqueue_indirect_dma source(%arg7 : memref<128x16xf32, #tpu.memory_space<vmem>>) target(%dma_start3A_63 : memref<50048x16xf32, #tpu.memory_space<vmem_shared>>) offsets(%dma_start3A_60 : memref<128xi32, #tpu.memory_space<vmem>>) semaphore(%run_scoped3A_58 : memref<!tpu.dma_semaphore, #tpu.memory_space<semaphore_mem>>) {add = true}
        %dma_wait3A = arith.constant 0 : i32
        %dma_wait3A_64 = tpu.memref_slice %arg6[%run_scoped3A_49, %run_scoped3A_50, %dma_wait3A] : memref<2x3x128xi32, #tpu.memory_space<vmem>> -> memref<1x1x128xi32, #tpu.memory_space<vmem>>
        %dma_wait3A_65 = tpu.memref_squeeze %dma_wait3A_64 : memref<1x1x128xi32, #tpu.memory_space<vmem>> -> memref<128xi32, #tpu.memory_space<vmem>>
        %dma_wait3A_66 = arith.constant 0 : i32
        %dma_wait3A_67 = arith.constant 0 : i32
        %dma_wait3A_68 = tpu.memref_slice %arg8[%dma_wait3A_66, %dma_wait3A_67] : memref<50048x16xf32, #tpu.memory_space<vmem_shared>> -> memref<50048x16xf32, #tpu.memory_space<vmem_shared>>
        tpu.wait_indirect_dma semaphore(%run_scoped3A_58 : memref<!tpu.dma_semaphore, #tpu.memory_space<semaphore_mem>>) src(%arg7 : memref<128x16xf32, #tpu.memory_space<vmem>>) dst(%dma_wait3A_68 : memref<50048x16xf32, #tpu.memory_space<vmem_shared>>)
        tpu.yield
      }) : () -> ()
      %add3A_51 = arith.constant 1 : i32
      %add3A_52 = arith.addi %add3A_37, %add3A_51 : i32
      %lt3A_53 = arith.constant 132 : i32
      %lt3A_54 = arith.cmpi slt, %add3A_52, %lt3A_53 : i32
      %convert_element_type3A_55 = arith.extui %lt3A_54 : i1 to i32
      %cond3A_56 = arith.constant 0 : i32
      %cond3A_57 = arith.cmpi ne, %convert_element_type3A_55, %cond3A_56 : i32
      scf.if %cond3A_57 {
        %add3A_58 = arith.constant 1 : i32
        %add3A_59 = arith.addi %add3A_37, %add3A_58 : i32
        %mul3A_60 = arith.constant 396 : i32
        %mul3A_61 = arith.muli %arg1, %mul3A_60 : i32
        %mul3A_62 = arith.constant 3 : i32
        %mul3A_63 = arith.muli %add3A_59, %mul3A_62 : i32
        %add3A_64 = arith.addi %mul3A_61, %mul3A_63 : i32
        %dma_wait3A = arith.constant 0 : i32
        %dma_wait3A_65 = arith.constant 0 : i32
        %dma_wait3A_66 = arith.constant 0 : i32
        %dma_wait3A_67 = tpu.memref_slice %arg6[%dma_wait3A, %dma_wait3A_65, %dma_wait3A_66] : memref<2x3x128xi32, #tpu.memory_space<vmem>> -> memref<1x3x128xi32, #tpu.memory_space<vmem>>
        %dma_wait3A_68 = tpu.memref_squeeze %dma_wait3A_67 : memref<1x3x128xi32, #tpu.memory_space<vmem>> -> memref<3x128xi32, #tpu.memory_space<vmem>>
        %dma_wait3A_69 = arith.constant 0 : i32
        %dma_wait3A_70 = tpu.memref_slice %arg2[%arg0, %add3A_64, %dma_wait3A_69] : memref<2x6336x128xi32, #tpu.memory_space<hbm>> -> memref<1x3x128xi32, #tpu.memory_space<hbm>>
        %dma_wait3A_71 = tpu.memref_squeeze %dma_wait3A_70 : memref<1x3x128xi32, #tpu.memory_space<hbm>> -> memref<3x128xi32, #tpu.memory_space<hbm>>
        %dma_wait3A_72 = arith.constant 0 : i32
        %dma_wait3A_73 = arith.constant 0 : i32
        %dma_wait3A_74 = tpu.memref_slice %arg6[%dma_wait3A, %dma_wait3A_72, %dma_wait3A_73] : memref<2x3x128xi32, #tpu.memory_space<vmem>> -> memref<1x3x128xi32, #tpu.memory_space<vmem>>
        %dma_wait3A_75 = tpu.memref_squeeze %dma_wait3A_74 : memref<1x3x128xi32, #tpu.memory_space<vmem>> -> memref<3x128xi32, #tpu.memory_space<vmem>>
        %dma_wait3A_76 = arith.constant 0 : i32
        %dma_wait3A_77 = tpu.memref_slice %arg2[%arg0, %add3A_64, %dma_wait3A_76] : memref<2x6336x128xi32, #tpu.memory_space<hbm>> -> memref<1x3x128xi32, #tpu.memory_space<hbm>>
        %dma_wait3A_78 = tpu.memref_squeeze %dma_wait3A_77 : memref<1x3x128xi32, #tpu.memory_space<hbm>> -> memref<3x128xi32, #tpu.memory_space<hbm>>
        tpu.wait_dma2 semaphore(%arg9 : memref<!tpu.dma_semaphore, #tpu.memory_space<semaphore_mem>>) src(%dma_wait3A_78 : memref<3x128xi32, #tpu.memory_space<hbm>>) dst(%dma_wait3A_75 : memref<3x128xi32, #tpu.memory_space<vmem>>)
      } else {
      }
    }
    %scan3A_8 = arith.constant 66 : i32
    %barrier3A_9 = arith.constant 0 : index
    tpu.barrier barrier_id(%barrier3A_9)
    %mul3A_10 = arith.constant 3128 : i32
    %mul3A_11 = arith.muli %arg1, %mul3A_10 : i32
    "tpu.region"() ({
      %run_scoped3A_12 = tpu.sem_alloc : memref<!tpu.dma_semaphore, #tpu.memory_space<semaphore_mem>>
      %dma_start3A = arith.constant 0 : i32
      %dma_start3A_13 = tpu.memref_slice %arg5[%arg0, %mul3A_11, %dma_start3A] : memref<2x50048x16xf32, #tpu.memory_space<hbm>> -> memref<1x3128x16xf32, #tpu.memory_space<hbm>>
      %dma_start3A_14 = tpu.memref_squeeze %dma_start3A_13 : memref<1x3128x16xf32, #tpu.memory_space<hbm>> -> memref<3128x16xf32, #tpu.memory_space<hbm>>
      %dma_start3A_15 = arith.constant 0 : i32
      %dma_start3A_16 = tpu.memref_slice %arg8[%mul3A_11, %dma_start3A_15] : memref<50048x16xf32, #tpu.memory_space<vmem_shared>> -> memref<3128x16xf32, #tpu.memory_space<vmem_shared>>
      tpu.enqueue_dma source(%dma_start3A_16 : memref<3128x16xf32, #tpu.memory_space<vmem_shared>>) target(%dma_start3A_14 : memref<3128x16xf32, #tpu.memory_space<hbm>>) target_semaphore(%run_scoped3A_12 : memref<!tpu.dma_semaphore, #tpu.memory_space<semaphore_mem>>)
      %dma_wait3A = arith.constant 0 : i32
      %dma_wait3A_17 = tpu.memref_slice %arg5[%arg0, %mul3A_11, %dma_wait3A] : memref<2x50048x16xf32, #tpu.memory_space<hbm>> -> memref<1x3128x16xf32, #tpu.memory_space<hbm>>
      %dma_wait3A_18 = tpu.memref_squeeze %dma_wait3A_17 : memref<1x3128x16xf32, #tpu.memory_space<hbm>> -> memref<3128x16xf32, #tpu.memory_space<hbm>>
      %dma_wait3A_19 = arith.constant 0 : i32
      %dma_wait3A_20 = tpu.memref_slice %arg8[%mul3A_11, %dma_wait3A_19] : memref<50048x16xf32, #tpu.memory_space<vmem_shared>> -> memref<3128x16xf32, #tpu.memory_space<vmem_shared>>
      tpu.wait_dma2 semaphore(%run_scoped3A_12 : memref<!tpu.dma_semaphore, #tpu.memory_space<semaphore_mem>>) src(%dma_wait3A_20 : memref<3128x16xf32, #tpu.memory_space<vmem_shared>>) dst(%dma_wait3A_18 : memref<3128x16xf32, #tpu.memory_space<hbm>>)
      tpu.yield
    }) : () -> ()
    return
  }
}

</mosaic_0001>

<sc_bundles>
// kernel: _sc_degree.3.cloned.1.call-start
scs
__scs_entry_jumppad:
0x0: {  	(pc) =	sbr.rel $0x88, $3  }
0x1: {  	(tag) =	ssettag $0x0;
	lr =	simm.s32 $0x1  }
0x2: {  	[smem:$0x3F9E] =	sst lr;
	_ =	strace $0xD0000000  }
0x3: {  	_ = 	snop  }
0x4: {  	_ = 	snop  }
0x5: {  	_ = 	snop  }
0x6: {  	_ = 	snop  }
0x7: {  	_ = 	snop  }
__scs_overlays_trampoline_lowered:
0x8: {  	[smem:$0x3FAD] =	sst s0  }
0x9: {  	[smem:$0x3FAE] =	sst s1  }
0xa: {  	[smem:$0x3FAF] =	sst s2  }
0xb: {  	[smem:$0x3FB0] =	sst s3  }
0xc: {  	[smem:$0x3FB1] =	sst s4  }
0xd: {  	[smem:$0x3FB2] =	sst s5  }
0xe: {  	[smem:$0x3FB3] =	sst s6  }
0xf: {  	[smem:$0x3FB4] =	sst s7  }
0x10: {  	[smem:$0x3FB5] =	sst s8  }
0x11: {  	[smem:$0x3FB6] =	sst s9;
	s0 =	simm.s32 @!p0 $0x0  }
0x12: {  	s1 =	sld [smem:$0x3F9C];
	s0 =	simm.s32 @p0 $0x1  }
0x13: {  	[smem:$0x3FB7] =	sst s0;
	s0 =	simm.s32 @!p1 $0x0  }
0x14: {  	s2 =	sld [smem:$0x3F9B];
	s0 =	simm.s32 @p1 $0x1  }
0x15: {  	[smem:$0x3FB8] =	sst s0;
	s0 =	simm.s32 @!p2 $0x0  }
0x16: {  	s3 =	sld [smem:$0x3FDB];
	s0 =	simm.s32 @p2 $0x1  }
0x17: {  	s4 =	simm.s32 $0x1BF5;
	[smem:$0x3FBA] =	sst s0  }
0x18: {  	s0 =	sld [smem:$0x3F9D];
	_ =	swait.ge [sflag:s4], $0x0  }
0x19: {  	s7 =	sld [smem:$0x3F9E]  }
0x1a: {  	s8 =	sadd.s32 $0xFFFFE003, lr  }
0x1b: {  	s9 =	sadd.s32 $0xFFFFFEF7, lr;
	s5 =	simm.s32 $0xFFFFFFFF;
	p2 =	slt.u32 s8, $0xFFFFF086  }
0x1c: {  	p1 =	slt.u32 s9, $0xF7A;
	s5 =	simm.s32 @!p2 $0x0  }
0x1d: {  	s5 =	simm.s32 @p1 $0x1;
	p0 =	seq.s32 s7, s2  }
0x1e: {  	s7 =	smul.u32 @!p0 $0xF7A, s2;
	p2 =	seq.s32 @!p0 s5, $0x0  }
0x1f: {  	s9 =	smul.u32 $0xF7A, s1;
	s8 =	simm.s32 @!p0 $0x1BF5;
	p2 =	por !p2, p0  }
0x20: {  	[sflag:s8] =	ssyncset.s32 @!p0 $0xFFFFF086;
	s6 =	sadd.s32 @!p0 s3, s7;
	s7 =	simm.s32 @!p0 $0x108  }
0x21: {  	s3 =	sadd.s32 s3, s9;
	s6 =	sadd.s32 @!p0 $0x88, s6;
	s7 =	simm.s32 @p2 $0x1082  }
0x22: {  	[simem:s7], [sflag:s8] =	dma.local @!p0 [hbm:s6], $0xF7A  }
0x23: {  	s9 =	sor.u32 $0xD0000000, s2;
	s6 =	simm.s32 $0x108;
	_ =	swait.ge @!p0 [sflag:s8], $0x0  }
0x24: {  	s3 =	sadd.s32 $0x88, s3;
	s6 =	simm.s32 @!p1 $0x1082;
	[sflag:s4] =	ssyncset.s32 $0xFFFFF086  }
0x25: {  	[simem:s6], [sflag:s4] =	dma.local [hbm:s3], $0xF7A  }
0x26: {  	[smem:$0x3F9E] =	sst s1;
	(tag) =	ssettag s2;
	_ =	strace s9  }
0x27: {  	s1 =	sld [smem:$0x3FAE]  }
0x28: {  	s2 =	sld [smem:$0x3FAF]  }
0x29: {  	s4 =	sld [smem:$0x3FB1]  }
0x2a: {  	p0 =	seq.s32 s5, $0x0;
	s5 =	sld [smem:$0x3FB2]  }
0x2b: {  	s6 =	sld [smem:$0x3FB3]  }
0x2c: {  	s7 =	sld [smem:$0x3FB4]  }
0x2d: {  	s3 =	simm.s32 $0x108;
	s8 =	sld [smem:$0x3FB5]  }
0x2e: {  	s3 =	simm.s32 @!p0 $0x1082;
	s9 =	sld [smem:$0x3FB6]  }
0x2f: {  	lr =	sadd.s32 s0, s3;
	s0 =	sld [smem:$0x3FAD]  }
0x30: {  	s3 =	sld [smem:$0x3FB0]  }
0x31: {  	[smem:$0x3FB9] =	sst s10  }
0x32: {  	s10 =	sld [smem:$0x3FB7];
	_ =	sdelay $0x3  }
0x33: {  	p0 =	seq.s32 s10, $0x1;
	s10 =	sld [smem:$0x3FB9];
	_ =	sdelay $0x3  }
0x34: {  	[smem:$0x3FB9] =	sst s10  }
0x35: {  	s10 =	sld [smem:$0x3FB8];
	_ =	sdelay $0x3  }
0x36: {  	p1 =	seq.s32 s10, $0x1;
	s10 =	sld [smem:$0x3FB9];
	_ =	sdelay $0x3  }
0x37: {  	[smem:$0x3FB9] =	sst s10  }
0x38: {  	s10 =	sld [smem:$0x3FBA]  }
0x39: {  	_ = 	snop;
	(pc) =	sbr.ind lr, $3  }
0x3a: {  	_ = 	snop  }
0x3b: {  	_ = 	snop  }
0x3c: {  	p2 =	seq.s32 s10, $0x1;
	s10 =	sld [smem:$0x3FB9]  }
0x3d: {  	_ =	shalt  }
0x3e: {  	_ =	shalt  }
0x3f: {  	_ =	shalt  }
0x40: {  	_ =	shalt  }
0x41: {  	_ =	shalt  }
0x42: {  	_ =	shalt  }
0x43: {  	_ =	shalt  }
0x44: {  	_ =	shalt  }
0x45: {  	_ =	shalt  }
0x46: {  	_ =	shalt  }
0x47: {  	_ =	shalt  }
0x48: {  	_ =	shalt  }
0x49: {  	_ =	shalt  }
0x4a: {  	_ =	shalt  }
0x4b: {  	_ =	shalt  }
0x4c: {  	_ =	shalt  }
0x4d: {  	_ =	shalt  }
0x4e: {  	_ =	shalt  }
0x4f: {  	_ =	shalt  }
0x50: {  	_ =	shalt  }
0x51: {  	_ =	shalt  }
0x52: {  	_ =	shalt  }
0x53: {  	_ =	shalt  }
0x54: {  	_ =	shalt  }
0x55: {  	_ =	shalt  }
0x56: {  	_ =	shalt  }
0x57: {  	_ =	shalt  }
0x58: {  	_ =	shalt  }
0x59: {  	_ =	shalt  }
0x5a: {  	_ =	shalt  }
0x5b: {  	_ =	shalt  }
0x5c: {  	_ =	shalt  }
0x5d: {  	_ =	shalt  }
0x5e: {  	_ =	shalt  }
0x5f: {  	_ =	shalt  }
0x60: {  	_ =	shalt  }
0x61: {  	_ =	shalt  }
0x62: {  	_ =	shalt  }
0x63: {  	_ =	shalt  }
0x64: {  	_ =	shalt  }
0x65: {  	_ =	shalt  }
0x66: {  	_ =	shalt  }
0x67: {  	_ =	shalt  }
0x68: {  	_ =	shalt  }
0x69: {  	_ =	shalt  }
0x6a: {  	_ =	shalt  }
0x6b: {  	_ =	shalt  }
0x6c: {  	_ =	shalt  }
0x6d: {  	_ =	shalt  }
0x6e: {  	_ =	shalt  }
0x6f: {  	_ =	shalt  }
0x70: {  	_ =	shalt  }
0x71: {  	_ =	shalt  }
0x72: {  	_ =	shalt  }
0x73: {  	_ =	shalt  }
0x74: {  	_ =	shalt  }
0x75: {  	_ =	shalt  }
0x76: {  	_ =	shalt  }
0x77: {  	_ =	shalt  }
0x78: {  	_ =	shalt  }
0x79: {  	_ =	shalt  }
0x7a: {  	_ =	shalt  }
0x7b: {  	_ =	shalt  }
0x7c: {  	_ =	shalt  }
0x7d: {  	_ =	shalt  }
0x7e: {  	_ =	shalt  }
0x7f: {  	_ =	shalt  }
0x80: {  	_ =	shalt  }
0x81: {  	_ =	shalt  }
0x82: {  	_ =	shalt  }
0x83: {  	_ =	shalt  }
0x84: {  	_ =	shalt  }
0x85: {  	_ =	shalt  }
0x86: {  	_ =	shalt  }
0x87: {  	_ =	shalt  }
.Lfunc_end0:
.L_simem_size_0:
called_computation_lowered:
.L_overlay_start_0:
0x88: {  	s2 =	sld [smem:$0x3FD9]  }
0x89: {  	s3 =	sld [smem:$0x3FFE];
	_ =	sdelay $0x1  }
0x8a: {  	s1 =	srdreg.scid  }
0x8b: {  	s0 =	sand.u32 $0x1, s1  }
0x8c: {  	s17 =	sshll.u32 s0, $0xA;
	s2 =	sadd.s32 s3, s2  }
0x8d: {  	s2 =	sadd.s32 s2, s17  }
0x8e: {  	[smem:$0x3FC5] =	sst s2  }
0x8f: {  	_ = 	snop  }
0x90: {  	s2 =	sld [smem:$0x3FC9]  }
0x91: {  	s18 =	sld [smem:$0x3FD0];
	(tm) =	ssettm $0x1  }
0x92: {  	s4 =	sld [smem:$0x3FFB];
	_ =	sdelay $0x3  }
0x93: {  	_ =	strace s4  }
0x94: {  	s4 =	sld [smem:$0x3FFC];
	_ =	sdelay $0x3  }
0x95: {  	_ =	strace s4  }
0x96: {  	s4 =	sld [smem:$0x3FFD];
	_ =	sdelay $0x3  }
0x97: {  	_ =	strace s4  }
0x98: {  	_ =	strace $0x8FFFFFFF  }
0x99: {  	s19 =	sld [smem:$0x3FDB];
	_ =	sdelay $0x1  }
0x9a: {  	s5 =	simm.s32 $_scs_section_size  }
0x9b: {  	s6 =	simm.s32 $_size__tile_overlayer_lowered;
	s7 =	simm.s32 $_tile_overlayer_lowered  }
0x9c: {  	s22 =	simm.s32 $0x1BFF;
	s21 =	sshll.u32 s7, $0x1;
	s4 =	sadd.s32 s5, s19  }
0x9d: {  	s8 =	simm.s32 $0x0;
	s20 =	sshll.u32 s6, $0x1;
	s6 =	sadd.s32 s21, s4  }
0x9e: {  	[timem:s8], [sflag:s22] =	dma.local [hbm:s6], s20  }
0x9f: {  	_ =	swait.ge [sflag:s22], s20  }
0xa0: {  	s5 =	ssub.s32 $0x0, s20;
	[sflag:s22] =	ssyncset.done $0x0  }
0xa1: {  	[sflag:s22] =	ssyncadd.s32 s5;
	_ =	sdelay $0x1  }
0xa2: {  	s23 =	simm.s32 $0x1B8B  }
0xa3: {  	_ =	swait.ge [sflag:s23], $0x1  }
0xa4: {  	[sflag:s23] =	ssyncset.done $0x0  }
0xa5: {  	s25 =	simm.s32 $0x1B8E;
	s24 =	sld [smem:$0x3FFE];
	[sflag:s23] =	ssyncadd.s32 $0xFFFFFFFF  }
0xa6: {  	s26 =	simm.s32 $execute0_lowered;
	[smem:$0x3FD2] =	sst s25  }
0xa7: {  	s6 =	sshll.u32 s26, $0x1;
	_ =	strace $0x80000046;
	[dreg:$0x1] =	wrdreg $0xFFFFFFFF  }
0xa8: {  	s28 =	simm.s32 $_size_execute0_lowered;
	s4 =	sadd.s32 s4, s6;
	[dreg:$0x0] =	wrdreg $0x0  }
0xa9: {  	s6 =	sshll.u32 s28, $0x1;
	[dreg:$0x2] =	wrdreg s4  }
0xaa: {  	[dreg:$0x3] =	wrdreg s6  }
0xab: {  	[dreg:$0x4] =	wrdreg $0xC0  }
0xac: {  	_ =	task [dreg:s8], $0x5FFFF  }
0xad: {  	[dreg:$0x1] =	wrdreg $0xFFFFFFFF  }
0xae: {  	[dreg:$0x0] =	wrdreg $0x60  }
0xaf: {  	[dreg:$0x2] =	wrdreg s2  }
0xb0: {  	[dreg:$0x3] =	wrdreg s24  }
0xb1: {  	[dreg:$0x4] =	wrdreg s18  }
0xb2: {  	[dreg:$0x5] =	wrdreg $0xB000  }
0xb3: {  	[dreg:$0x6] =	wrdreg $0x9  }
0xb4: {  	_ =	task.clear_ibuf [dreg:s8], $0x7FFFF;
	_ =	strace $0x90000046  }
0xb5: {  	s29 =	simm.s32 $0x9;
	_ =	strace $0x80000048  }
0xb6: {  	_ =	swait.ge [sflag:s29], $0x1  }
0xb7: {  	[sflag:s29] =	ssyncadd.s32 $0xFFFFFFFF  }
0xb8: {  	_ =	strace $0x90000048  }
0xb9: {  	_ =	sfence  }
0xba: {  	s30 =	sld [smem:$0x0];
	_ =	sdelay $0x2  }
0xbb: {  	s31 =	sshll.u32 s1, $0xD;
	s1 =	sshrl.u32 s1, $0x2  }
0xbc: {  	s3 =	sand.u32 $0x4000, s31;
	s1 =	sadd.s32 s1, s30  }
0xbd: {  	s0 =	sor.u32 s3, s0;
	s1 =	sshll.u32 s1, $0x11  }
0xbe: {  	s0 =	sor.u32 s1, s0  }
0xbf: {  	s0 =	sadd.s32 $0x8F2B, s0  }
0xc0: {  	[sflag:s0] =	ssyncadd.remote.s32 $0x1  }
0xc1: {  	_ =	sfence.sel $0xFFFF  }
0xc2: {  	[dreg:$0x0] =	wrdreg $0xFFFFFFFF;
	(pc) =	sbr.abs _section_cstart, $3  }
0xc3: {  	[dreg:$0x1] =	wrdreg $0xFFFFFFFF  }
0xc4: {  	_ =	task.clear_ibuf [dreg:s8], $0x2FFFF;
	_ =	strace $0x9FFFFFFF  }
0xc5: {  	(tm) =	ssettm $0x7FFFFFFF  }
tec
execute0_lowered:
.L_overlay_start_1:
0x0: {  	(tag) =	ssettag $0x1  }
0x1: {  	s1 =	rddreg [dreg:$0x0]  }
0x2: {  	s6 =	rddreg [dreg:$0x1]  }
0x3: {  	s8 =	rddreg [dreg:$0x2]  }
0x4: {  	s3 =	rddreg [dreg:$0x3]  }
0x5: {  	s0 =	rddreg [dreg:$0x4];
	s5 =	srdreg.scid  }
0x6: {  	s2 =	stileid.u32;
	s4 =	simm.s32 $0x0;
	s14 =	simm.s32 $0x2  }
0x7: {  	s17 =	simm.s32 $0x180;
	s18 =	simm.s32 $0x80;
	s19 =	simm.s32 $0x100  }
0x8: {  	s20 =	simm.s32 $0x1;
	s21 =	simm.s32 $0x200;
	s22 =	simm.s32 $0x280  }
0x9: {  	s23 =	simm.s32 $0x0;
	s7 =	sand.u32 $0x1, s5;
	s9 =	smul.u32 $0xC380, s2  }
0xa: {  	[smem:$0x7FF] =	sst s4;
	s12 =	smul.u32 $0xC600, s2;
	s5 =	sadd.s32 $0x400, s6  }
0xb: {  	s6 =	sadd.s32 $0x600, s6;
	s15 =	sshll.u32 s2, $0x6;
	s10 =	smul.u32 $0xC6000, s7  }
0xc: {  	_ =	strace $0x80000047;
	s11 =	ssub.s32 $0x2, s7;
	s7 =	smul.u32 $0xC3800, s7  }
0xd: {  	s15 =	sor.u32 $0x1C02, s15;
	s13 =	sshrl.u32 s11, $0x1;
	s16 =	sadd.s32 s9, s3  }
0xe: {  	s11 =	ssub.s32 s11, s13;
	s12 =	sadd.s32 s12, s10;
	s9 =	sadd.s32 s9, s7  }
0xf: {  	s13 =	simm.s32 $0x300;
	s16 =	sshrl.u32 s16, $0x3;
	s10 =	sshrl.u32 s12, $0x3  }
0x10: {  	s9 =	sshrl.u32 s9, $0x3;
	s30 =	sor.u32 $0x180, s12;
	s7 =	sadd.s32 s1, s10  }
0x11: {  	s8 =	sadd.s32 s8, s9;
	s9 =	smax.u32 s11, $0x1;
	s31 =	sshrl.u32 s30, $0x3  }
0x12: {  	s11 =	sadd.s32 $0x300, s12;
	s10 =	sadd.s32 $0x1890, s7;
	s12 =	sadd.s32 s31, s1  }
.LBB2_1:
0x13: {  	[tilespmem:s13], [sflag:$0x2] =	stream.linear.gather [hbm4b:s5+s4], $0x800, $0x38;
	[tilespmem:$0xCE80] =	vst v63  }
0x14: {  	_ =	swait.ge [sflag:s14], $0x800  }
0x15: {  	[sflag:s14] =	ssyncset.done $0x0  }
0x16: {  	[sflag:s14] =	ssyncadd.s32 $0xFFFFF800  }
0x17: {  	[spmem:s16], [sflag:s15] =	dma.local [hbm:s6], $0x1870  }
0x18: {  	_ =	swait.ge [sflag:s14], $0x1870  }
0x19: {  	[sflag:s14] =	ssyncset.done $0x0  }
0x1a: {  	[sflag:s14] =	ssyncadd.s32 $0xFFFFE790  }
0x1b: {  	[bflag:$0x0] =	sbarrier.arrive $0xFFFF  }
0x1c: {  	[tilespmem:s4], [sflag:$0x2] =	stream.linear.gather [hbm4b:s7+s4], $0x180, $0x38;
	[tilespmem:$0xCE80] =	vst v63  }
0x1d: {  	_ =	swait.ge [sflag:s14], $0x180  }
0x1e: {  	[sflag:s14] =	ssyncset.done $0x0  }
0x1f: {  	s24 =	sadd.s32 $0x0, s12;
	[sflag:s14] =	ssyncadd.s32 $0xFFFFFE80  }
0x20: {  	[tilespmem:s17], [sflag:$0x1] =	stream.linear.gather [hbm4b:s24+s4], $0x180, $0x38;
	[tilespmem:$0xCE80] =	vst v63  }
0x21: {  	_ = 	snop  }
0x22: {  	[spmem:s3] =	stream.indirect.scatter.add.f32 [tilespmem:s13], [sflag:$0x2], $0x10, s4, s18, $0xb8;
	[tilespmem:$0xCE80] =	vst v63  }
0x23: {  	_ =	swait.ge [sflag:s14], $0x800  }
0x24: {  	[sflag:s14] =	ssyncset.done $0x0  }
0x25: {  	[sflag:s14] =	ssyncadd.s32 $0xFFFFF800  }
0x26: {  	[spmem:s3] =	stream.indirect.scatter.add.f32 [tilespmem:s13], [sflag:$0x2], $0x10, s18, s18, $0xb8;
	[tilespmem:$0xCE80] =	vst v63  }
0x27: {  	_ =	swait.ge [sflag:s14], $0x800  }
0x28: {  	[sflag:s14] =	ssyncset.done $0x0  }
0x29: {  	[sflag:s14] =	ssyncadd.s32 $0xFFFFF800  }
0x2a: {  	[spmem:s3] =	stream.indirect.scatter.add.f32 [tilespmem:s13], [sflag:$0x2], $0x10, s19, s18, $0xb8;
	[tilespmem:$0xCE80] =	vst v63  }
0x2b: {  	_ =	swait.ge [sflag:s14], $0x800  }
0x2c: {  	[sflag:s14] =	ssyncset.done $0x0  }
0x2d: {  	[sflag:s14] =	ssyncadd.s32 $0xFFFFF800  }
0x2e: {  	_ =	swait.ge [sflag:s20], $0x180  }
0x2f: {  	s31 =	sshrl.u32 s11, $0x3;
	[sflag:s20] =	ssyncset.done $0x0  }
0x30: {  	s24 =	sadd.s32 s1, s31;
	[sflag:s20] =	ssyncadd.s32 $0xFFFFFE80  }
0x31: {  	[tilespmem:s4], [sflag:$0x1] =	stream.linear.gather [hbm4b:s24+s4], $0x180, $0x38;
	[tilespmem:$0xCE80] =	vst v63  }
0x32: {  	_ = 	snop  }
0x33: {  	[spmem:s3] =	stream.indirect.scatter.add.f32 [tilespmem:s13], [sflag:$0x2], $0x10, s17, s18, $0xb8;
	[tilespmem:$0xCE80] =	vst v63  }
0x34: {  	_ =	swait.ge [sflag:s14], $0x800  }
0x35: {  	[sflag:s14] =	ssyncset.done $0x0  }
0x36: {  	[sflag:s14] =	ssyncadd.s32 $0xFFFFF800  }
0x37: {  	[spmem:s3] =	stream.indirect.scatter.add.f32 [tilespmem:s13], [sflag:$0x2], $0x10, s21, s18, $0xb8;
	[tilespmem:$0xCE80] =	vst v63  }
0x38: {  	_ =	swait.ge [sflag:s14], $0x800  }
0x39: {  	[sflag:s14] =	ssyncset.done $0x0  }
0x3a: {  	[sflag:s14] =	ssyncadd.s32 $0xFFFFF800  }
0x3b: {  	[spmem:s3] =	stream.indirect.scatter.add.f32 [tilespmem:s13], [sflag:$0x2], $0x10, s22, s18, $0xb8;
	[tilespmem:$0xCE80] =	vst v63  }
0x3c: {  	_ =	swait.ge [sflag:s14], $0x800  }
0x3d: {  	[sflag:s14] =	ssyncset.done $0x0  }
0x3e: {  	[sflag:s14] =	ssyncadd.s32 $0xFFFFF800  }
0x3f: {  	s25 =	simm.s32 $0x60;
	_ =	swait.ge [sflag:s20], $0x180  }
0x40: {  	s28 =	simm.s32 $0xC0;
	s24 =	sadd.s32 $0x300, s11;
	[sflag:s20] =	ssyncset.done $0x0  }
.LBB2_2:
0x41: {  	s29 =	sadd.s32 s25, s12  }
0x42: {  	[sflag:s20] =	ssyncadd.s32 $0xFFFFFE80;
	s25 =	smov.u32 s28;
	s26 =	sadd.s32 $0x60, s28  }
0x43: {  	[tilespmem:s17], [sflag:$0x1] =	stream.linear.gather [hbm4b:s29+s4], $0x180, $0x38;
	[tilespmem:$0xCE80] =	vst v63  }
0x44: {  	p0 =	sne.s32 s28, $0x1800  }
0x45: {  	[spmem:s3] =	stream.indirect.scatter.add.f32 [tilespmem:s13], [sflag:$0x2], $0x10, s4, s18, $0xb8;
	[tilespmem:$0xCE80] =	vst v63  }
0x46: {  	_ =	swait.ge [sflag:s14], $0x800  }
0x47: {  	[sflag:s14] =	ssyncset.done $0x0  }
0x48: {  	[sflag:s14] =	ssyncadd.s32 $0xFFFFF800  }
0x49: {  	[spmem:s3] =	stream.indirect.scatter.add.f32 [tilespmem:s13], [sflag:$0x2], $0x10, s18, s18, $0xb8;
	[tilespmem:$0xCE80] =	vst v63  }
0x4a: {  	_ =	swait.ge [sflag:s14], $0x800  }
0x4b: {  	[sflag:s14] =	ssyncset.done $0x0  }
0x4c: {  	[sflag:s14] =	ssyncadd.s32 $0xFFFFF800  }
0x4d: {  	[spmem:s3] =	stream.indirect.scatter.add.f32 [tilespmem:s13], [sflag:$0x2], $0x10, s19, s18, $0xb8;
	[tilespmem:$0xCE80] =	vst v63  }
0x4e: {  	_ =	swait.ge [sflag:s14], $0x800  }
0x4f: {  	[sflag:s14] =	ssyncset.done $0x0  }
0x50: {  	[sflag:s14] =	ssyncadd.s32 $0xFFFFF800  }
0x51: {  	_ =	swait.ge [sflag:s20], $0x180  }
0x52: {  	s28 =	sshrl.u32 s24, $0x3;
	[sflag:s20] =	ssyncset.done $0x0  }
0x53: {  	s28 =	sadd.s32 s1, s28;
	[sflag:s20] =	ssyncadd.s32 $0xFFFFFE80  }
0x54: {  	[tilespmem:s4], [sflag:$0x1] =	stream.linear.gather [hbm4b:s28+s4], $0x180, $0x38;
	[tilespmem:$0xCE80] =	vst v63  }
0x55: {  	_ = 	snop  }
0x56: {  	[spmem:s3] =	stream.indirect.scatter.add.f32 [tilespmem:s13], [sflag:$0x2], $0x10, s17, s18, $0xb8;
	[tilespmem:$0xCE80] =	vst v63  }
0x57: {  	_ =	swait.ge [sflag:s14], $0x800  }
0x58: {  	[sflag:s14] =	ssyncset.done $0x0  }
0x59: {  	[sflag:s14] =	ssyncadd.s32 $0xFFFFF800  }
0x5a: {  	[spmem:s3] =	stream.indirect.scatter.add.f32 [tilespmem:s13], [sflag:$0x2], $0x10, s21, s18, $0xb8;
	[tilespmem:$0xCE80] =	vst v63  }
0x5b: {  	_ =	swait.ge [sflag:s14], $0x800  }
0x5c: {  	[sflag:s14] =	ssyncset.done $0x0  }
0x5d: {  	[sflag:s14] =	ssyncadd.s32 $0xFFFFF800  }
0x5e: {  	[spmem:s3] =	stream.indirect.scatter.add.f32 [tilespmem:s13], [sflag:$0x2], $0x10, s22, s18, $0xb8;
	[tilespmem:$0xCE80] =	vst v63  }
.Ltmp0:
0x5f: {  	_ =	swait.ge [sflag:s14], $0x800;
	(pc) =	sbr.rel @p0 .LBB2_2-.Ltmp0, $4  }
0x60: {  	[sflag:s14] =	ssyncset.done $0x0  }
0x61: {  	[sflag:s14] =	ssyncadd.s32 $0xFFFFF800  }
0x62: {  	_ =	swait.ge [sflag:s20], $0x180  }
0x63: {  	s24 =	sadd.s32 $0x300, s24;
	s28 =	smov.u32 s26;
	[sflag:s20] =	ssyncset.done $0x0  }
0x64: {  	s25 =	sadd.s32 s25, s12;
	[sflag:s20] =	ssyncadd.s32 $0xFFFFFE80  }
0x65: {  	[tilespmem:s17], [sflag:$0x1] =	stream.linear.gather [hbm4b:s25+s4], $0x180, $0x38;
	[tilespmem:$0xCE80] =	vst v63  }
0x66: {  	_ = 	snop  }
0x67: {  	[spmem:s3] =	stream.indirect.scatter.add.f32 [tilespmem:s13], [sflag:$0x2], $0x10, s4, s18, $0xb8;
	[tilespmem:$0xCE80] =	vst v63  }
0x68: {  	_ =	swait.ge [sflag:s14], $0x800  }
0x69: {  	[sflag:s14] =	ssyncset.done $0x0  }
0x6a: {  	[sflag:s14] =	ssyncadd.s32 $0xFFFFF800  }
0x6b: {  	[spmem:s3] =	stream.indirect.scatter.add.f32 [tilespmem:s13], [sflag:$0x2], $0x10, s18, s18, $0xb8;
	[tilespmem:$0xCE80] =	vst v63  }
0x6c: {  	_ =	swait.ge [sflag:s14], $0x800  }
0x6d: {  	[sflag:s14] =	ssyncset.done $0x0  }
0x6e: {  	[sflag:s14] =	ssyncadd.s32 $0xFFFFF800  }
0x6f: {  	[spmem:s3] =	stream.indirect.scatter.add.f32 [tilespmem:s13], [sflag:$0x2], $0x10, s19, s18, $0xb8;
	[tilespmem:$0xCE80] =	vst v63  }
0x70: {  	_ =	swait.ge [sflag:s14], $0x800  }
0x71: {  	[sflag:s14] =	ssyncset.done $0x0  }
0x72: {  	[sflag:s14] =	ssyncadd.s32 $0xFFFFF800  }
0x73: {  	_ =	swait.ge [sflag:s20], $0x180  }
0x74: {  	s24 =	sshrl.u32 s24, $0x3;
	[sflag:s20] =	ssyncset.done $0x0  }
0x75: {  	s24 =	sadd.s32 s1, s24;
	[sflag:s20] =	ssyncadd.s32 $0xFFFFFE80  }
0x76: {  	[tilespmem:s4], [sflag:$0x1] =	stream.linear.gather [hbm4b:s24+s4], $0x180, $0x38;
	[tilespmem:$0xCE80] =	vst v63  }
0x77: {  	_ = 	snop  }
0x78: {  	[spmem:s3] =	stream.indirect.scatter.add.f32 [tilespmem:s13], [sflag:$0x2], $0x10, s17, s18, $0xb8;
	[tilespmem:$0xCE80] =	vst v63  }
0x79: {  	_ =	swait.ge [sflag:s14], $0x800  }
0x7a: {  	[sflag:s14] =	ssyncset.done $0x0  }
0x7b: {  	[sflag:s14] =	ssyncadd.s32 $0xFFFFF800  }
0x7c: {  	[spmem:s3] =	stream.indirect.scatter.add.f32 [tilespmem:s13], [sflag:$0x2], $0x10, s21, s18, $0xb8;
	[tilespmem:$0xCE80] =	vst v63  }
0x7d: {  	_ =	swait.ge [sflag:s14], $0x800  }
0x7e: {  	[sflag:s14] =	ssyncset.done $0x0  }
0x7f: {  	[sflag:s14] =	ssyncadd.s32 $0xFFFFF800  }
0x80: {  	[spmem:s3] =	stream.indirect.scatter.add.f32 [tilespmem:s13], [sflag:$0x2], $0x10, s22, s18, $0xb8;
	[tilespmem:$0xCE80] =	vst v63  }
0x81: {  	_ =	swait.ge [sflag:s14], $0x800  }
0x82: {  	[sflag:s14] =	ssyncset.done $0x0  }
0x83: {  	[sflag:s14] =	ssyncadd.s32 $0xFFFFF800  }
0x84: {  	_ =	swait.ge [sflag:s20], $0x180  }
0x85: {  	[sflag:s20] =	ssyncset.done $0x0  }
0x86: {  	[sflag:s20] =	ssyncadd.s32 $0xFFFFFE80  }
0x87: {  	[tilespmem:s17], [sflag:$0x1] =	stream.linear.gather [hbm4b:s10+s4], $0x180, $0x38;
	[tilespmem:$0xCE80] =	vst v63  }
0x88: {  	_ = 	snop  }
0x89: {  	[spmem:s3] =	stream.indirect.scatter.add.f32 [tilespmem:s13], [sflag:$0x2], $0x10, s4, s18, $0xb8;
	[tilespmem:$0xCE80] =	vst v63  }
0x8a: {  	_ =	swait.ge [sflag:s14], $0x800  }
0x8b: {  	[sflag:s14] =	ssyncset.done $0x0  }
0x8c: {  	[sflag:s14] =	ssyncadd.s32 $0xFFFFF800  }
0x8d: {  	[spmem:s3] =	stream.indirect.scatter.add.f32 [tilespmem:s13], [sflag:$0x2], $0x10, s18, s18, $0xb8;
	[tilespmem:$0xCE80] =	vst v63  }
0x8e: {  	_ =	swait.ge [sflag:s14], $0x800  }
0x8f: {  	[sflag:s14] =	ssyncset.done $0x0  }
0x90: {  	[sflag:s14] =	ssyncadd.s32 $0xFFFFF800  }
0x91: {  	[spmem:s3] =	stream.indirect.scatter.add.f32 [tilespmem:s13], [sflag:$0x2], $0x10, s19, s18, $0xb8;
	[tilespmem:$0xCE80] =	vst v63  }
0x92: {  	_ =	swait.ge [sflag:s14], $0x800  }
0x93: {  	[sflag:s14] =	ssyncset.done $0x0  }
0x94: {  	[sflag:s14] =	ssyncadd.s32 $0xFFFFF800  }
0x95: {  	_ =	swait.ge [sflag:s20], $0x180  }
0x96: {  	[sflag:s20] =	ssyncset.done $0x0  }
0x97: {  	[sflag:s20] =	ssyncadd.s32 $0xFFFFFE80  }
0x98: {  	[spmem:s3] =	stream.indirect.scatter.add.f32 [tilespmem:s13], [sflag:$0x2], $0x10, s17, s18, $0xb8;
	[tilespmem:$0xCE80] =	vst v63  }
0x99: {  	_ =	swait.ge [sflag:s14], $0x800  }
0x9a: {  	[sflag:s14] =	ssyncset.done $0x0  }
0x9b: {  	[sflag:s14] =	ssyncadd.s32 $0xFFFFF800  }
0x9c: {  	[spmem:s3] =	stream.indirect.scatter.add.f32 [tilespmem:s13], [sflag:$0x2], $0x10, s21, s18, $0xb8;
	[tilespmem:$0xCE80] =	vst v63  }
0x9d: {  	_ =	swait.ge [sflag:s14], $0x800  }
0x9e: {  	[sflag:s14] =	ssyncset.done $0x0  }
0x9f: {  	[sflag:s14] =	ssyncadd.s32 $0xFFFFF800  }
0xa0: {  	[spmem:s3] =	stream.indirect.scatter.add.f32 [tilespmem:s13], [sflag:$0x2], $0x10, s22, s18, $0xb8;
	[tilespmem:$0xCE80] =	vst v63  }
0xa1: {  	_ =	swait.ge [sflag:s14], $0x800  }
0xa2: {  	s23 =	sadd.s32 $0x1, s23;
	[sflag:s14] =	ssyncset.done $0x0  }
0xa3: {  	p0 =	sne.s32 s23, s9;
	[sflag:s14] =	ssyncadd.s32 $0xFFFFF800  }
.Ltmp1:
0xa4: {  	[bflag:$0x0] =	sbarrier.arrive $0xFFFF;
	(pc) =	sbr.rel @p0 .LBB2_1-.Ltmp1, $4  }
0xa5: {  	[hbm:s8], [sflag:s15] =	dma.local [spmem:s16], $0x1870  }
0xa6: {  	_ =	swait.ge [sflag:s14], $0x1870  }
0xa7: {  	[sflag:s14] =	ssyncset.done $0x0  }
0xa8: {  	[sflag:s14] =	ssyncadd.s32 $0xFFFFE790  }
0xa9: {  	_ =	sfence.sel $0x180000  }
0xaa: {  	[bflag:$0x0] =	sbarrier.arrive $0xFFFF  }
0xab: {  	p0 =	sne.s32 s2, $0x0;
	_ =	strace $0x90000047  }
0xac: {  	s0 =	sadd.s32 @!p0 $0x100000, s0;
	[bflag:$0x2] =	sbarrier.arrive $0xFFFF  }
0xad: {  	[sflag:s0] =	ssyncadd.tile.s32 @!p0 $0x1;
	_ =	shalt  }
.Lfunc_end2:
_tile_overlayer_lowered:
.L_overlay_start_2:
0xae: {  	(tag) =	ssettag $0x2  }
0xaf: {  	s0 =	rddreg [dreg:$0x0];
	s2 =	stileid.u32  }
0xb0: {  	s1 =	rddreg [dreg:$0x1];
	p0 =	sne.s32 s2, $0x0  }
0xb1: {  	s3 =	rddreg [dreg:$0x2];
	[bflag:$0x3] =	sbarrier.arrive $0xFFFF;
	s2 =	simm.s32 @!p0 $0x1C02  }
0xb2: {  	[timem:s3], [sflag:s2] =	dma.local @!p0 [hbm:s0], s1  }
0xb3: {  	s0 =	simm.s32 @!p0 $0x2  }
0xb4: {  	_ =	swait.ge @!p0 [sflag:s0], s1  }
0xb5: {  	s1 =	ssub.s32 @!p0 $0x0, s1;
	[sflag:s0] =	ssyncset.done @!p0 $0x0  }
0xb6: {  	[sflag:s0] =	ssyncadd.s32 @!p0 s1  }
0xb7: {  	[bflag:$0x3] =	sbarrier.arrive $0xFFFF  }
0xb8: {  	_ =	shalt  }

</sc_bundles>
